<compile_context>
chip_gen: v7x
topology: tpu7x:2x2x1
jax: 0.10.2.dev20260603
libtpu: 0.0.44.dev20260713+nightly
codegen_flags: <defaults>
</compile_context>

<pallas_src>
import functools
import math

import jax
import jax.numpy as jnp
from jax import lax
from jax.experimental import pallas as pl
from jax.experimental.pallas import tpu as pltpu
from jax.experimental.pallas import tpu_sc as plsc

N_E = 8192
E_DIM = 256
BETA = 0.25
TOK = 9216
TB = 768
NB = TOK // TB
NW = 32
BPW = TOK // NW


def _norm_kernel(w_ref, cb_ref, cbn_ref):
    w = w_ref[...]
    n1 = jnp.sqrt(jnp.sum(w * w, axis=1, keepdims=True))
    cb = w / jnp.maximum(n1, 1e-12)
    n2 = jnp.sqrt(jnp.sum(cb * cb, axis=1, keepdims=True))
    cb_ref[...] = cb
    cbn_ref[...] = (cb / jnp.maximum(n2, 1e-12)).astype(jnp.bfloat16)


def _vq_kernel(z_ref, cbn_ref, idx_ref, p_ref, rm_ref):
    i = pl.program_id(0)
    z = z_ref[...]
    nz = jnp.sqrt(jnp.sum(z * z, axis=1, keepdims=True))
    zn = (z / jnp.maximum(nz, 1e-12)).astype(jnp.bfloat16)
    cbn = cbn_ref[...]
    d = jax.lax.dot_general(zn, cbn, (((1,), (1,)), ((), ())),
                            preferred_element_type=jnp.float32)
    rmax = jnp.max(d, axis=1, keepdims=True)
    iota = jax.lax.broadcasted_iota(jnp.int32, (1, N_E), 1)
    idx = jnp.min(jnp.where(d == rmax, iota, N_E), axis=1, keepdims=True)
    idx_ref[...] = idx

    s = jnp.exp(d - rmax)
    rs = jnp.sum(s, axis=1, keepdims=True)
    pb = jnp.sum(s * (1.0 / rs), axis=0, keepdims=True)

    @pl.when(i == 0)
    def _init():
        p_ref[...] = jnp.zeros_like(p_ref)
        rm_ref[...] = jnp.zeros_like(rm_ref)

    p_ref[...] += pb
    rm_ref[...] += rmax


def _gather_body(cb_hbm, idx_hbm, zero_hbm, zq_hbm, hist_hbm,
                 idx_v, rows_v, ones_v, shared, sem):
    c = lax.axis_index("c")
    s = lax.axis_index("s")
    wid = s * 2 + c
    base = wid * BPW
    pltpu.sync_copy(idx_hbm.at[pl.ds(base, BPW)], idx_v)
    pltpu.async_copy(cb_hbm.at[idx_v], rows_v, sem).wait()
    pltpu.sync_copy(rows_v, zq_hbm.at[pl.ds(base, BPW)])

    def _fill(k, _):
        ones_v[pl.ds(k * 16, 16)] = jnp.ones((16,), jnp.float32)
        return 0
    lax.fori_loop(0, BPW // 16, _fill, 0)

    @pl.when(s == 0)
    def _zero():
        pltpu.sync_copy(zero_hbm, shared)
    plsc.subcore_barrier()
    pltpu.sync_copy(ones_v, shared.at[idx_v], add=True)
    plsc.subcore_barrier()

    @pl.when(s == 0)
    def _write():
        pltpu.sync_copy(shared, hist_hbm.at[c])


def _sc_gather_hist(cb, idx, zero):
    mesh = plsc.VectorSubcoreMesh(core_axis_name="c", subcore_axis_name="s")
    return pl.kernel(
        _gather_body,
        out_type=[
            jax.ShapeDtypeStruct((TOK, E_DIM), jnp.float32),
            jax.ShapeDtypeStruct((2, N_E), jnp.float32),
        ],
        mesh=mesh,
        scratch_types=[
            pltpu.VMEM((BPW,), jnp.int32),
            pltpu.VMEM((BPW, E_DIM), jnp.float32),
            pltpu.VMEM((BPW,), jnp.float32),
            pltpu.VMEM_SHARED((N_E,), jnp.float32),
            pltpu.SemaphoreType.DMA,
        ],
    )(cb, idx, zero)


@functools.partial(jax.jit, static_argnames=())
def kernel(z, W):
    z_flat = z.reshape(-1, E_DIM)

    cb, cbn = pl.pallas_call(
        _norm_kernel,
        out_shape=[
            jax.ShapeDtypeStruct((N_E, E_DIM), jnp.float32),
            jax.ShapeDtypeStruct((N_E, E_DIM), jnp.bfloat16),
        ],
        in_specs=[pl.BlockSpec((N_E, E_DIM), lambda: (0, 0))],
        out_specs=[
            pl.BlockSpec((N_E, E_DIM), lambda: (0, 0)),
            pl.BlockSpec((N_E, E_DIM), lambda: (0, 0)),
        ],
    )(W)

    idx, p_sum, rm_acc = pl.pallas_call(
        _vq_kernel,
        grid=(NB,),
        out_shape=[
            jax.ShapeDtypeStruct((TOK, 1), jnp.int32),
            jax.ShapeDtypeStruct((1, N_E), jnp.float32),
            jax.ShapeDtypeStruct((TB, 1), jnp.float32),
        ],
        in_specs=[
            pl.BlockSpec((TB, E_DIM), lambda i: (i, 0)),
            pl.BlockSpec((N_E, E_DIM), lambda i: (0, 0)),
        ],
        out_specs=[
            pl.BlockSpec((TB, 1), lambda i: (i, 0)),
            pl.BlockSpec((1, N_E), lambda i: (0, 0)),
            pl.BlockSpec((TB, 1), lambda i: (0, 0)),
        ],
    )(z_flat, cbn)

    zero = jnp.zeros((N_E,), jnp.float32)
    zq, hist = _sc_gather_hist(cb, idx.reshape(TOK), zero)

    inv_n = 1.0 / TOK
    e_mean = (hist[0] + hist[1]) * inv_n
    p = p_sum[0] * inv_n
    rmax_mean = jnp.sum(rm_acc) * inv_n

    commit_loss = (1.0 - rmax_mean) * (1.0 + BETA)
    kl_loss = jnp.sum(p * (jnp.log(p) - math.log(1.0 / N_E)))
    load_balancing_loss = jnp.sum(e_mean * p)
    perplexity = jnp.exp(-jnp.sum(e_mean * jnp.log(e_mean + 1e-6)))
    z_q_st = zq.reshape(z.shape)
    return (z_q_st, commit_loss, kl_loss, load_balancing_loss, cb, perplexity)

# --- scband reference (transcript-rebuilt; emitter-appended) ---
"""Pipeline reference for scband-vector-quantizer-70763881168914 (READ-ONLY COPY).

The authoritative reference and input builder live on the scoring server;
editing this copy changes nothing except your own understanding.
"""

import jax, jax.numpy as jnp
import numpy as np
import math

N_E = 8192
E_DIM = 256
BETA = 0.25

def _l2norm(x, axis=-1, eps=1e-12):
    n = jnp.linalg.norm(x, axis=axis, keepdims=True)
    return x / jnp.maximum(n, eps)

def _cosine(a, b, eps=1e-8):
    num = jnp.sum(a * b, axis=-1)
    den = jnp.maximum(jnp.linalg.norm(a, axis=-1), eps) * jnp.maximum(jnp.linalg.norm(b, axis=-1), eps)
    return num / den

def setup_inputs(seed: int = 0):
    key = jax.random.key(seed)
    k1, k2 = jax.random.split(key)
    z = jax.random.normal(k1, (16, 24, 24, E_DIM), dtype=jnp.float32)
    bound = 1.0 / math.sqrt(E_DIM)
    W = jax.random.uniform(k2, (N_E, E_DIM), minval=-bound, maxval=bound, dtype=jnp.float32)
    return {"z": z, "W": W}

def reference(z, W):
    z_flat = z.reshape(-1, E_DIM)
    cb = _l2norm(W)
    # _d: normalize cb again (idempotent) and normalize z, then cosine via matmul
    cb_n = _l2norm(cb)
    z_n = _l2norm(z_flat)
    d = z_n @ cb_n.T
    min_encoding_indices = jnp.argmax(d, axis=1)
    encoding_indices_prob = jax.nn.softmax(d, axis=1)
    N = z_flat.shape[0]
    min_encodings = jnp.zeros((N, N_E), dtype=z.dtype).at[jnp.arange(N), min_encoding_indices].set(1.0)
    z_q = (min_encodings @ cb).reshape(z.shape)
    # commitment loss (cosine-based)
    commit_loss = (1.0 - jnp.mean(_cosine(z_q, jax.lax.stop_gradient(z)))) + BETA * (1.0 - jnp.mean(_cosine(jax.lax.stop_gradient(z_q), z)))
    # codebook pairwise cosine (computed but unused in the original loss)
    cb_cos = _l2norm(cb) @ _l2norm(cb).T
    cb_neg = (jnp.sum(cb_cos, axis=1) - cb_cos[0, 0]) / (cb_cos.shape[0] - 1)
    _ = cb_neg
    e_mean = jnp.mean(min_encodings, axis=0)
    p = jnp.mean(encoding_indices_prob, axis=0)
    kl_loss = jnp.sum(p * (jnp.log(p) - math.log(1.0 / N_E)))
    load_balancing_loss = jnp.sum(e_mean * jnp.mean(encoding_indices_prob, axis=0))
    z_q_st = z + jax.lax.stop_gradient(z_q - z)
    perplexity = jnp.exp(-jnp.sum(e_mean * jnp.log(e_mean + 1e-6)))
    return (z_q_st, commit_loss, kl_loss, load_balancing_loss, cb, perplexity)

if __name__ == "__main__":
    import jax
    _d = setup_inputs()
    print(jax.jit(kernel)(*tuple(_d.values())))

</pallas_src>

<mosaic_0001>
#map = affine_map<(d0, d1) -> (0, 0)>
#map1 = affine_map<(d0, d1) -> (0)>
module attributes {stable_mosaic.version = 14 : i64} {
  func.func @_gather_body(%arg0: i32, %arg1: i32, %arg2: memref<8192x256xf32, #tpu.memory_space<hbm>>, %arg3: memref<9216xi32, #tpu.memory_space<hbm>>, %arg4: memref<8192xf32, #tpu.memory_space<hbm>>, %arg5: memref<9216x256xf32, #tpu.memory_space<hbm>>, %arg6: memref<2x8192xf32, #tpu.memory_space<hbm>>, %arg7: memref<288xi32, #tpu.memory_space<vmem>>, %arg8: memref<288x256xf32, #tpu.memory_space<vmem>>, %arg9: memref<288xf32, #tpu.memory_space<vmem>>, %arg10: memref<8192xf32, #tpu.memory_space<vmem_shared>>, %arg11: memref<!tpu.dma_semaphore, #tpu.memory_space<semaphore_mem>>) attributes {dimension_semantics = [#tpu.dimension_semantics<core_parallel>, #tpu.dimension_semantics<subcore_parallel>], iteration_bounds = array<i64: 2, 16>, scalar_prefetch = 0 : i64, scratch_operands = 5 : i64, tpu.core_type = #tpu.core_type<sc_vector_subcore>, window_params = [{transform_indices = #map}, {transform_indices = #map1}, {transform_indices = #map1}, {transform_indices = #map}, {transform_indices = #map}]} {
    %mul3A = arith.constant 2 : i32
    %mul3A_0 = arith.muli %arg1, %mul3A : i32
    %add3A = arith.addi %mul3A_0, %arg0 : i32
    %mul3A_1 = arith.constant 288 : i32
    %mul3A_2 = arith.muli %add3A, %mul3A_1 : i32
    "tpu.region"() ({
      %run_scoped3A = tpu.sem_alloc : memref<!tpu.dma_semaphore, #tpu.memory_space<semaphore_mem>>
      %dma_start3A_21 = tpu.memref_slice %arg3[%mul3A_2] : memref<9216xi32, #tpu.memory_space<hbm>> -> memref<288xi32, #tpu.memory_space<hbm>>
      %dma_start3A_22 = tpu.memref_slice %arg3[%mul3A_2] : memref<9216xi32, #tpu.memory_space<hbm>> -> memref<288xi32, #tpu.memory_space<hbm>>
      tpu.enqueue_dma source(%dma_start3A_22 : memref<288xi32, #tpu.memory_space<hbm>>) target(%arg7 : memref<288xi32, #tpu.memory_space<vmem>>) target_semaphore(%run_scoped3A : memref<!tpu.dma_semaphore, #tpu.memory_space<semaphore_mem>>)
      %dma_wait3A_23 = tpu.memref_slice %arg3[%mul3A_2] : memref<9216xi32, #tpu.memory_space<hbm>> -> memref<288xi32, #tpu.memory_space<hbm>>
      %dma_wait3A_24 = tpu.memref_slice %arg3[%mul3A_2] : memref<9216xi32, #tpu.memory_space<hbm>> -> memref<288xi32, #tpu.memory_space<hbm>>
      tpu.wait_dma2 semaphore(%run_scoped3A : memref<!tpu.dma_semaphore, #tpu.memory_space<semaphore_mem>>) src(%dma_wait3A_24 : memref<288xi32, #tpu.memory_space<hbm>>) dst(%arg7 : memref<288xi32, #tpu.memory_space<vmem>>)
      tpu.yield
    }) : () -> ()
    %dma_start3A = arith.constant 0 : i32
    %dma_start3A_3 = arith.constant 0 : i32
    %dma_start3A_4 = tpu.memref_slice %arg2[%dma_start3A, %dma_start3A_3] : memref<8192x256xf32, #tpu.memory_space<hbm>> -> memref<8192x256xf32, #tpu.memory_space<hbm>>
    tpu.enqueue_indirect_dma source(%dma_start3A_4 : memref<8192x256xf32, #tpu.memory_space<hbm>>) target(%arg8 : memref<288x256xf32, #tpu.memory_space<vmem>>) offsets(%arg7 : memref<288xi32, #tpu.memory_space<vmem>>) semaphore(%arg11 : memref<!tpu.dma_semaphore, #tpu.memory_space<semaphore_mem>>)
    %dma_wait3A = arith.constant 0 : i32
    %dma_wait3A_5 = arith.constant 0 : i32
    %dma_wait3A_6 = tpu.memref_slice %arg2[%dma_wait3A, %dma_wait3A_5] : memref<8192x256xf32, #tpu.memory_space<hbm>> -> memref<8192x256xf32, #tpu.memory_space<hbm>>
    tpu.wait_indirect_dma semaphore(%arg11 : memref<!tpu.dma_semaphore, #tpu.memory_space<semaphore_mem>>) src(%dma_wait3A_6 : memref<8192x256xf32, #tpu.memory_space<hbm>>) dst(%arg8 : memref<288x256xf32, #tpu.memory_space<vmem>>)
    "tpu.region"() ({
      %run_scoped3A = tpu.sem_alloc : memref<!tpu.dma_semaphore, #tpu.memory_space<semaphore_mem>>
      %dma_start3A_21 = arith.constant 0 : i32
      %dma_start3A_22 = tpu.memref_slice %arg5[%mul3A_2, %dma_start3A_21] : memref<9216x256xf32, #tpu.memory_space<hbm>> -> memref<288x256xf32, #tpu.memory_space<hbm>>
      %dma_start3A_23 = arith.constant 0 : i32
      %dma_start3A_24 = tpu.memref_slice %arg5[%mul3A_2, %dma_start3A_23] : memref<9216x256xf32, #tpu.memory_space<hbm>> -> memref<288x256xf32, #tpu.memory_space<hbm>>
      tpu.enqueue_dma source(%arg8 : memref<288x256xf32, #tpu.memory_space<vmem>>) target(%dma_start3A_24 : memref<288x256xf32, #tpu.memory_space<hbm>>) target_semaphore(%run_scoped3A : memref<!tpu.dma_semaphore, #tpu.memory_space<semaphore_mem>>)
      %dma_wait3A_25 = arith.constant 0 : i32
      %dma_wait3A_26 = tpu.memref_slice %arg5[%mul3A_2, %dma_wait3A_25] : memref<9216x256xf32, #tpu.memory_space<hbm>> -> memref<288x256xf32, #tpu.memory_space<hbm>>
      %dma_wait3A_27 = arith.constant 0 : i32
      %dma_wait3A_28 = tpu.memref_slice %arg5[%mul3A_2, %dma_wait3A_27] : memref<9216x256xf32, #tpu.memory_space<hbm>> -> memref<288x256xf32, #tpu.memory_space<hbm>>
      tpu.wait_dma2 semaphore(%run_scoped3A : memref<!tpu.dma_semaphore, #tpu.memory_space<semaphore_mem>>) src(%arg8 : memref<288x256xf32, #tpu.memory_space<vmem>>) dst(%dma_wait3A_28 : memref<288x256xf32, #tpu.memory_space<hbm>>)
      tpu.yield
    }) : () -> ()
    %scan3A = arith.constant 0 : i32
    %scan3A_7 = arith.constant 0 : i32
    %scan3A_8 = arith.constant 18 : i32
    %scan3A_9 = arith.addi %scan3A_7, %scan3A_8 : i32
    %scan3A_10 = arith.constant 1 : i32
    %scan3A_11 = scf.for %scan3A_21 = %scan3A_7 to %scan3A_9 step %scan3A_10 iter_args(%scan3A_22 = %scan3A) -> (i32)  : i32 {
      %broadcast_in_dim3A = arith.constant 1.000000e+00 : f32
      %broadcast_in_dim3A_23 = vector.broadcast %broadcast_in_dim3A : f32 to vector<16xf32>
      %mul3A_24 = arith.constant 16 : i32
      %mul3A_25 = arith.muli %scan3A_21, %mul3A_24 : i32
      %swap3A = arith.index_cast %mul3A_25 : i32 to index
      %swap3A_26 = tpu.vector_load %arg9[%swap3A] {strides = array<i32>} : memref<288xf32, #tpu.memory_space<vmem>>, vector<16xf32>,
      %swap3A_27 = vector.shape_cast %swap3A_26 : vector<16xf32> to vector<16xf32>
      %swap3A_28 = vector.shape_cast %broadcast_in_dim3A_23 : vector<16xf32> to vector<16xf32>
      tpu.vector_store %arg9[%swap3A], %swap3A_28 {strides = array<i32>} : memref<288xf32, #tpu.memory_space<vmem>>, vector<16xf32>,
      %scan3A_29 = arith.constant 0 : i32
      scf.yield %scan3A_29 : i32
    }
    %scan3A_12 = arith.constant 18 : i32
    %eq3A = arith.constant 0 : i32
    %eq3A_13 = arith.cmpi eq, %arg1, %eq3A : i32
    %convert_element_type3A = arith.extui %eq3A_13 : i1 to i32
    %cond3A = arith.constant 0 : i32
    %cond3A_14 = arith.cmpi ne, %convert_element_type3A, %cond3A : i32
    scf.if %cond3A_14 {
      "tpu.region"() ({
        %run_scoped3A = tpu.sem_alloc : memref<!tpu.dma_semaphore, #tpu.memory_space<semaphore_mem>>
        tpu.enqueue_dma source(%arg4 : memref<8192xf32, #tpu.memory_space<hbm>>) target(%arg10 : memref<8192xf32, #tpu.memory_space<vmem_shared>>) target_semaphore(%run_scoped3A : memref<!tpu.dma_semaphore, #tpu.memory_space<semaphore_mem>>)
        tpu.wait_dma2 semaphore(%run_scoped3A : memref<!tpu.dma_semaphore, #tpu.memory_space<semaphore_mem>>) src(%arg4 : memref<8192xf32, #tpu.memory_space<hbm>>) dst(%arg10 : memref<8192xf32, #tpu.memory_space<vmem_shared>>)
        tpu.yield
      }) : () -> ()
    } else {
    }
    %barrier3A = arith.constant 0 : index
    tpu.barrier barrier_id(%barrier3A)
    "tpu.region"() ({
      %run_scoped3A = tpu.sem_alloc : memref<!tpu.dma_semaphore, #tpu.memory_space<semaphore_mem>>
      %dma_start3A_21 = arith.constant 0 : i32
      %dma_start3A_22 = tpu.memref_slice %arg10[%dma_start3A_21] : memref<8192xf32, #tpu.memory_space<vmem_shared>> -> memref<8192xf32, #tpu.memory_space<vmem_shared>>
      tpu.enqueue_indirect_dma source(%arg9 : memref<288xf32, #tpu.memory_space<vmem>>) target(%dma_start3A_22 : memref<8192xf32, #tpu.memory_space<vmem_shared>>) offsets(%arg7 : memref<288xi32, #tpu.memory_space<vmem>>) semaphore(%run_scoped3A : memref<!tpu.dma_semaphore, #tpu.memory_space<semaphore_mem>>) {add = true}
      %dma_wait3A_23 = arith.constant 0 : i32
      %dma_wait3A_24 = tpu.memref_slice %arg10[%dma_wait3A_23] : memref<8192xf32, #tpu.memory_space<vmem_shared>> -> memref<8192xf32, #tpu.memory_space<vmem_shared>>
      tpu.wait_indirect_dma semaphore(%run_scoped3A : memref<!tpu.dma_semaphore, #tpu.memory_space<semaphore_mem>>) src(%arg9 : memref<288xf32, #tpu.memory_space<vmem>>) dst(%dma_wait3A_24 : memref<8192xf32, #tpu.memory_space<vmem_shared>>)
      tpu.yield
    }) : () -> ()
    %barrier3A_15 = arith.constant 0 : index
    tpu.barrier barrier_id(%barrier3A_15)
    %eq3A_16 = arith.constant 0 : i32
    %eq3A_17 = arith.cmpi eq, %arg1, %eq3A_16 : i32
    %convert_element_type3A_18 = arith.extui %eq3A_17 : i1 to i32
    %cond3A_19 = arith.constant 0 : i32
    %cond3A_20 = arith.cmpi ne, %convert_element_type3A_18, %cond3A_19 : i32
    scf.if %cond3A_20 {
      "tpu.region"() ({
        %run_scoped3A = tpu.sem_alloc : memref<!tpu.dma_semaphore, #tpu.memory_space<semaphore_mem>>
        %dma_start3A_21 = arith.constant 0 : i32
        %dma_start3A_22 = tpu.memref_slice %arg6[%arg0, %dma_start3A_21] : memref<2x8192xf32, #tpu.memory_space<hbm>> -> memref<1x8192xf32, #tpu.memory_space<hbm>>
        %dma_start3A_23 = tpu.memref_squeeze %dma_start3A_22 : memref<1x8192xf32, #tpu.memory_space<hbm>> -> memref<8192xf32, #tpu.memory_space<hbm>>
        tpu.enqueue_dma source(%arg10 : memref<8192xf32, #tpu.memory_space<vmem_shared>>) target(%dma_start3A_23 : memref<8192xf32, #tpu.memory_space<hbm>>) target_semaphore(%run_scoped3A : memref<!tpu.dma_semaphore, #tpu.memory_space<semaphore_mem>>)
        %dma_wait3A_24 = arith.constant 0 : i32
        %dma_wait3A_25 = tpu.memref_slice %arg6[%arg0, %dma_wait3A_24] : memref<2x8192xf32, #tpu.memory_space<hbm>> -> memref<1x8192xf32, #tpu.memory_space<hbm>>
        %dma_wait3A_26 = tpu.memref_squeeze %dma_wait3A_25 : memref<1x8192xf32, #tpu.memory_space<hbm>> -> memref<8192xf32, #tpu.memory_space<hbm>>
        tpu.wait_dma2 semaphore(%run_scoped3A : memref<!tpu.dma_semaphore, #tpu.memory_space<semaphore_mem>>) src(%arg10 : memref<8192xf32, #tpu.memory_space<vmem_shared>>) dst(%dma_wait3A_26 : memref<8192xf32, #tpu.memory_space<hbm>>)
        tpu.yield
      }) : () -> ()
    } else {
    }
    return
  }
}

module attributes {stable_mosaic.version = 14 : i64} {
  func.func @_norm_kernel(%arg0: memref<8192x256xf32, #tpu.memory_space<vmem>>, %arg1: memref<8192x256xf32, #tpu.memory_space<vmem>>, %arg2: memref<8192x256xbf16, #tpu.memory_space<vmem>>) attributes {dimension_semantics = [], scalar_prefetch = 0 : i64, scratch_operands = 0 : i64, tpu.core_type = #tpu.core_type<tc>} {
    %get3A = arith.constant 0 : index
    %get3A_0 = arith.constant 0 : index
    %get3A_1 = vector.load %arg0[%get3A, %get3A_0] : memref<8192x256xf32, #tpu.memory_space<vmem>>, vector<8192x256xf32>
    %mul3A = arith.mulf %get3A_1, %get3A_1 : vector<8192x256xf32>
    %reduce_sum3A = arith.constant dense<0.000000e+00> : vector<8192xf32>
    %reduce_sum3A_2 = vector.multi_reduction <add>, %mul3A, %reduce_sum3A [1] : vector<8192x256xf32> to vector<8192xf32>
    %broadcast_in_dim3A = vector.shape_cast %reduce_sum3A_2 : vector<8192xf32> to vector<8192x1xf32>
    %sqrt3A = math.sqrt %broadcast_in_dim3A : vector<8192x1xf32>
    %max3A = arith.constant 9.99999996E-13 : f32
    %max3A_3 = vector.broadcast %max3A : f32 to vector<8192x1xf32>
    %max3A_4 = arith.maximumf %sqrt3A, %max3A_3 : vector<8192x1xf32>
    %div3A = vector.broadcast %max3A_4 : vector<8192x1xf32> to vector<8192x256xf32>
    %div3A_5 = arith.divf %get3A_1, %div3A : vector<8192x256xf32>
    %mul3A_6 = arith.mulf %div3A_5, %div3A_5 : vector<8192x256xf32>
    %reduce_sum3A_7 = arith.constant dense<0.000000e+00> : vector<8192xf32>
    %reduce_sum3A_8 = vector.multi_reduction <add>, %mul3A_6, %reduce_sum3A_7 [1] : vector<8192x256xf32> to vector<8192xf32>
    %broadcast_in_dim3A_9 = vector.shape_cast %reduce_sum3A_8 : vector<8192xf32> to vector<8192x1xf32>
    %sqrt3A_10 = math.sqrt %broadcast_in_dim3A_9 : vector<8192x1xf32>
    %swap3A = arith.constant 0 : index
    %swap3A_11 = arith.constant 0 : index
    %swap3A_12 = vector.load %arg1[%swap3A, %swap3A_11] : memref<8192x256xf32, #tpu.memory_space<vmem>>, vector<8192x256xf32>
    tpu.vector_store %arg1[%swap3A, %swap3A_11], %div3A_5 {strides = array<i32>} : memref<8192x256xf32, #tpu.memory_space<vmem>>, vector<8192x256xf32>,
    %max3A_13 = arith.constant 9.99999996E-13 : f32
    %max3A_14 = vector.broadcast %max3A_13 : f32 to vector<8192x1xf32>
    %max3A_15 = arith.maximumf %sqrt3A_10, %max3A_14 : vector<8192x1xf32>
    %div3A_16 = vector.broadcast %max3A_15 : vector<8192x1xf32> to vector<8192x256xf32>
    %div3A_17 = arith.divf %div3A_5, %div3A_16 : vector<8192x256xf32>
    %convert_element_type3A = arith.truncf %div3A_17 : vector<8192x256xf32> to vector<8192x256xbf16>
    %swap3A_18 = arith.constant 0 : index
    %swap3A_19 = arith.constant 0 : index
    %swap3A_20 = vector.load %arg2[%swap3A_18, %swap3A_19] : memref<8192x256xbf16, #tpu.memory_space<vmem>>, vector<8192x256xbf16>
    tpu.vector_store %arg2[%swap3A_18, %swap3A_19], %convert_element_type3A {strides = array<i32>} : memref<8192x256xbf16, #tpu.memory_space<vmem>>, vector<8192x256xbf16>,
    return
  }
}

module attributes {stable_mosaic.version = 14 : i64} {
  func.func @_vq_kernel(%arg0: i32, %arg1: memref<768x256xf32, #tpu.memory_space<vmem>>, %arg2: memref<8192x256xbf16, #tpu.memory_space<vmem>>, %arg3: memref<768x1xi32, #tpu.memory_space<vmem>>, %arg4: memref<1x8192xf32, #tpu.memory_space<vmem>>, %arg5: memref<768x1xf32, #tpu.memory_space<vmem>>) attributes {dimension_semantics = [#tpu.dimension_semantics<arbitrary>], iteration_bounds = array<i64: 12>, scalar_prefetch = 0 : i64, scratch_operands = 0 : i64, tpu.core_type = #tpu.core_type<tc>, window_params = [{transform_indices = @transform_0, window_bounds = array<i64: 768, 256>}, {pipeline_mode = #tpu.pipeline_mode<synchronous>, transform_indices = @transform_1, window_bounds = array<i64: 8192, 256>}, {transform_indices = @transform_2, window_bounds = array<i64: 768, 1>}, {pipeline_mode = #tpu.pipeline_mode<synchronous>, transform_indices = @transform_3, window_bounds = array<i64: 1, 8192>}, {pipeline_mode = #tpu.pipeline_mode<synchronous>, transform_indices = @transform_4, window_bounds = array<i64: 768, 1>}]} {
    %get3A = arith.constant 0 : index
    %get3A_0 = arith.constant 0 : index
    %get3A_1 = vector.load %arg1[%get3A, %get3A_0] : memref<768x256xf32, #tpu.memory_space<vmem>>, vector<768x256xf32>
    %mul3A = arith.mulf %get3A_1, %get3A_1 : vector<768x256xf32>
    %reduce_sum3A = arith.constant dense<0.000000e+00> : vector<768xf32>
    %reduce_sum3A_2 = vector.multi_reduction <add>, %mul3A, %reduce_sum3A [1] : vector<768x256xf32> to vector<768xf32>
    %broadcast_in_dim3A = vector.shape_cast %reduce_sum3A_2 : vector<768xf32> to vector<768x1xf32>
    %sqrt3A = math.sqrt %broadcast_in_dim3A : vector<768x1xf32>
    %max3A = arith.constant 9.99999996E-13 : f32
    %max3A_3 = vector.broadcast %max3A : f32 to vector<768x1xf32>
    %max3A_4 = arith.maximumf %sqrt3A, %max3A_3 : vector<768x1xf32>
    %div3A = vector.broadcast %max3A_4 : vector<768x1xf32> to vector<768x256xf32>
    %div3A_5 = arith.divf %get3A_1, %div3A : vector<768x256xf32>
    %convert_element_type3A = arith.truncf %div3A_5 : vector<768x256xf32> to vector<768x256xbf16>
    %get3A_6 = arith.constant 0 : index
    %get3A_7 = arith.constant 0 : index
    %get3A_8 = vector.load %arg2[%get3A_6, %get3A_7] : memref<8192x256xbf16, #tpu.memory_space<vmem>>, vector<8192x256xbf16>
    %dot_general3A = arith.constant dense<0.000000e+00> : vector<768x8192xf32>
    %dot_general3A_9 = tpu.matmul %convert_element_type3A, %get3A_8, %dot_general3A {dimension_numbers = #tpu.dot_dimension_numbers<[1], [1], [0], [0], [0, 0, 1, 0], [], []>, transpose_lhs_hint = false} : vector<768x256xbf16>, vector<8192x256xbf16>, vector<768x8192xf32> -> vector<768x8192xf32>
    %reduce_max3A = arith.constant dense<0xFF800000> : vector<768xf32>
    %reduce_max3A_10 = vector.multi_reduction <maximumf>, %dot_general3A_9, %reduce_max3A [1] : vector<768x8192xf32> to vector<768xf32>
    %broadcast_in_dim3A_11 = vector.shape_cast %reduce_max3A_10 : vector<768xf32> to vector<768x1xf32>
    %iota3A = tpu.iota {dimensions = array<i32: 1>} : vector<1x8192xi32>
    %eq3A = vector.broadcast %broadcast_in_dim3A_11 : vector<768x1xf32> to vector<768x8192xf32>
    %eq3A_12 = arith.cmpf oeq, %dot_general3A_9, %eq3A : vector<768x8192xf32>
    %jit3A = arith.constant 8192 : i32
    %broadcast_in_dim3A_13 = vector.shape_cast %iota3A : vector<1x8192xi32> to vector<1x8192xi32>
    %broadcast_in_dim3A_14 = vector.broadcast %broadcast_in_dim3A_13 : vector<1x8192xi32> to vector<768x8192xi32>
    %broadcast_in_dim3A_15 = vector.broadcast %jit3A : i32 to vector<768x8192xi32>
    %select_n3A = arith.select %eq3A_12, %broadcast_in_dim3A_14, %broadcast_in_dim3A_15 : vector<768x8192xi1>, vector<768x8192xi32>
    %reduce_min3A = arith.constant dense<2147483647> : vector<768xi32>
    %reduce_min3A_16 = vector.multi_reduction <minsi>, %select_n3A, %reduce_min3A [1] : vector<768x8192xi32> to vector<768xi32>
    %broadcast_in_dim3A_17 = vector.shape_cast %reduce_min3A_16 : vector<768xi32> to vector<768x1xi32>
    %swap3A = arith.constant 0 : index
    %swap3A_18 = arith.constant 0 : index
    %swap3A_19 = vector.load %arg3[%swap3A, %swap3A_18] : memref<768x1xi32, #tpu.memory_space<vmem>>, vector<768x1xi32>
    tpu.vector_store %arg3[%swap3A, %swap3A_18], %broadcast_in_dim3A_17 {strides = array<i32>} : memref<768x1xi32, #tpu.memory_space<vmem>>, vector<768x1xi32>,
    %sub3A = vector.broadcast %broadcast_in_dim3A_11 : vector<768x1xf32> to vector<768x8192xf32>
    %sub3A_20 = arith.subf %dot_general3A_9, %sub3A : vector<768x8192xf32>
    %exp3A = math.exp %sub3A_20 : vector<768x8192xf32>
    %reduce_sum3A_21 = arith.constant dense<0.000000e+00> : vector<768xf32>
    %reduce_sum3A_22 = vector.multi_reduction <add>, %exp3A, %reduce_sum3A_21 [1] : vector<768x8192xf32> to vector<768xf32>
    %broadcast_in_dim3A_23 = vector.shape_cast %reduce_sum3A_22 : vector<768xf32> to vector<768x1xf32>
    %div3A_24 = arith.constant 1.000000e+00 : f32
    %div3A_25 = vector.broadcast %div3A_24 : f32 to vector<768x1xf32>
    %div3A_26 = arith.divf %div3A_25, %broadcast_in_dim3A_23 : vector<768x1xf32>
    %mul3A_27 = vector.broadcast %div3A_26 : vector<768x1xf32> to vector<768x8192xf32>
    %mul3A_28 = arith.mulf %exp3A, %mul3A_27 : vector<768x8192xf32>
    %reduce_sum3A_29 = arith.constant dense<0.000000e+00> : vector<8192xf32>
    %reduce_sum3A_30 = vector.multi_reduction <add>, %mul3A_28, %reduce_sum3A_29 [0] : vector<768x8192xf32> to vector<8192xf32>
    %broadcast_in_dim3A_31 = vector.shape_cast %reduce_sum3A_30 : vector<8192xf32> to vector<1x8192xf32>
    %eq3A_32 = arith.constant 0 : i32
    %eq3A_33 = arith.cmpi eq, %arg0, %eq3A_32 : i32
    %convert_element_type3A_34 = arith.extui %eq3A_33 : i1 to i32
    %cond3A = arith.constant 0 : i32
    %cond3A_35 = arith.cmpi ne, %convert_element_type3A_34, %cond3A : i32
    scf.if %cond3A_35 {
      %broadcast_in_dim3A_49 = arith.constant 0.000000e+00 : f32
      %broadcast_in_dim3A_50 = vector.broadcast %broadcast_in_dim3A_49 : f32 to vector<1x8192xf32>
      %swap3A_51 = arith.constant 0 : index
      %swap3A_52 = arith.constant 0 : index
      %swap3A_53 = vector.load %arg4[%swap3A_51, %swap3A_52] : memref<1x8192xf32, #tpu.memory_space<vmem>>, vector<1x8192xf32>
      tpu.vector_store %arg4[%swap3A_51, %swap3A_52], %broadcast_in_dim3A_50 {strides = array<i32>} : memref<1x8192xf32, #tpu.memory_space<vmem>>, vector<1x8192xf32>,
      %broadcast_in_dim3A_54 = arith.constant 0.000000e+00 : f32
      %broadcast_in_dim3A_55 = vector.broadcast %broadcast_in_dim3A_54 : f32 to vector<768x1xf32>
      %swap3A_56 = arith.constant 0 : index
      %swap3A_57 = arith.constant 0 : index
      %swap3A_58 = vector.load %arg5[%swap3A_56, %swap3A_57] : memref<768x1xf32, #tpu.memory_space<vmem>>, vector<768x1xf32>
      tpu.vector_store %arg5[%swap3A_56, %swap3A_57], %broadcast_in_dim3A_55 {strides = array<i32>} : memref<768x1xf32, #tpu.memory_space<vmem>>, vector<768x1xf32>,
    } else {
    }
    %get3A_36 = arith.constant 0 : index
    %get3A_37 = arith.constant 0 : index
    %get3A_38 = vector.load %arg4[%get3A_36, %get3A_37] : memref<1x8192xf32, #tpu.memory_space<vmem>>, vector<1x8192xf32>
    %add3A = arith.addf %get3A_38, %broadcast_in_dim3A_31 : vector<1x8192xf32>
    %swap3A_39 = arith.constant 0 : index
    %swap3A_40 = arith.constant 0 : index
    %swap3A_41 = vector.load %arg4[%swap3A_39, %swap3A_40] : memref<1x8192xf32, #tpu.memory_space<vmem>>, vector<1x8192xf32>
    tpu.vector_store %arg4[%swap3A_39, %swap3A_40], %add3A {strides = array<i32>} : memref<1x8192xf32, #tpu.memory_space<vmem>>, vector<1x8192xf32>,
    %get3A_42 = arith.constant 0 : index
    %get3A_43 = arith.constant 0 : index
    %get3A_44 = vector.load %arg5[%get3A_42, %get3A_43] : memref<768x1xf32, #tpu.memory_space<vmem>>, vector<768x1xf32>
    %add3A_45 = arith.addf %get3A_44, %broadcast_in_dim3A_11 : vector<768x1xf32>
    %swap3A_46 = arith.constant 0 : index
    %swap3A_47 = arith.constant 0 : index
    %swap3A_48 = vector.load %arg5[%swap3A_46, %swap3A_47] : memref<768x1xf32, #tpu.memory_space<vmem>>, vector<768x1xf32>
    tpu.vector_store %arg5[%swap3A_46, %swap3A_47], %add3A_45 {strides = array<i32>} : memref<768x1xf32, #tpu.memory_space<vmem>>, vector<768x1xf32>,
    return
  }
  func.func @transform_0(%arg0: i32) -> (i32, i32) {
    %c0_i32 = arith.constant 0 : i32
    %c0_i32_0 = arith.constant 0 : i32
    return %arg0, %c0_i32 : i32, i32
  }
  func.func @transform_1(%arg0: i32) -> (i32, i32) {
    %c0_i32 = arith.constant 0 : i32
    %c0_i32_0 = arith.constant 0 : i32
    %c0_i32_1 = arith.constant 0 : i32
    return %c0_i32, %c0_i32_0 : i32, i32
  }
  func.func @transform_2(%arg0: i32) -> (i32, i32) {
    %c0_i32 = arith.constant 0 : i32
    %c0_i32_0 = arith.constant 0 : i32
    return %arg0, %c0_i32 : i32, i32
  }
  func.func @transform_3(%arg0: i32) -> (i32, i32) {
    %c0_i32 = arith.constant 0 : i32
    %c0_i32_0 = arith.constant 0 : i32
    %c0_i32_1 = arith.constant 0 : i32
    return %c0_i32, %c0_i32_0 : i32, i32
  }
  func.func @transform_4(%arg0: i32) -> (i32, i32) {
    %c0_i32 = arith.constant 0 : i32
    %c0_i32_0 = arith.constant 0 : i32
    %c0_i32_1 = arith.constant 0 : i32
    return %c0_i32, %c0_i32_0 : i32, i32
  }
}

</mosaic_0001>

<sc_bundles>
// kernel: kernel.5.cloned.1.call-start
scs
__scs_entry_jumppad:
0x0: {  	(pc) =	sbr.rel $0x88, $3  }
0x1: {  	(tag) =	ssettag $0x0;
	lr =	simm.s32 $0x1  }
0x2: {  	[smem:$0x3F9F] =	sst lr;
	_ =	strace $0xD0000000  }
0x3: {  	_ = 	snop  }
0x4: {  	_ = 	snop  }
0x5: {  	_ = 	snop  }
0x6: {  	_ = 	snop  }
0x7: {  	_ = 	snop  }
__scs_overlays_trampoline_lowered:
0x8: {  	[smem:$0x3FAE] =	sst s0  }
0x9: {  	[smem:$0x3FAF] =	sst s1  }
0xa: {  	[smem:$0x3FB0] =	sst s2  }
0xb: {  	[smem:$0x3FB1] =	sst s3  }
0xc: {  	[smem:$0x3FB2] =	sst s4  }
0xd: {  	[smem:$0x3FB3] =	sst s5  }
0xe: {  	[smem:$0x3FB4] =	sst s6  }
0xf: {  	[smem:$0x3FB5] =	sst s7  }
0x10: {  	[smem:$0x3FB6] =	sst s8  }
0x11: {  	[smem:$0x3FB7] =	sst s9;
	s0 =	simm.s32 @!p0 $0x0  }
0x12: {  	s1 =	sld [smem:$0x3F9D];
	s0 =	simm.s32 @p0 $0x1  }
0x13: {  	[smem:$0x3FB8] =	sst s0;
	s0 =	simm.s32 @!p1 $0x0  }
0x14: {  	s2 =	sld [smem:$0x3F9C];
	s0 =	simm.s32 @p1 $0x1  }
0x15: {  	[smem:$0x3FB9] =	sst s0;
	s0 =	simm.s32 @!p2 $0x0  }
0x16: {  	s3 =	sld [smem:$0x3FDB];
	s0 =	simm.s32 @p2 $0x1  }
0x17: {  	s4 =	simm.s32 $0x1BF5;
	[smem:$0x3FBB] =	sst s0  }
0x18: {  	s0 =	sld [smem:$0x3F9E];
	_ =	swait.ge [sflag:s4], $0x0  }
0x19: {  	s7 =	sld [smem:$0x3F9F]  }
0x1a: {  	s8 =	sadd.s32 $0xFFFFE003, lr  }
0x1b: {  	s9 =	sadd.s32 $0xFFFFFEF7, lr;
	s5 =	simm.s32 $0xFFFFFFFF;
	p2 =	slt.u32 s8, $0xFFFFF086  }
0x1c: {  	p1 =	slt.u32 s9, $0xF7A;
	s5 =	simm.s32 @!p2 $0x0  }
0x1d: {  	s5 =	simm.s32 @p1 $0x1;
	p0 =	seq.s32 s7, s2  }
0x1e: {  	s7 =	smul.u32 @!p0 $0xF7A, s2;
	p2 =	seq.s32 @!p0 s5, $0x0  }
0x1f: {  	s9 =	smul.u32 $0xF7A, s1;
	s8 =	simm.s32 @!p0 $0x1BF5;
	p2 =	por !p2, p0  }
0x20: {  	[sflag:s8] =	ssyncset.s32 @!p0 $0xFFFFF086;
	s6 =	sadd.s32 @!p0 s3, s7;
	s7 =	simm.s32 @!p0 $0x108  }
0x21: {  	s3 =	sadd.s32 s3, s9;
	s6 =	sadd.s32 @!p0 $0x88, s6;
	s7 =	simm.s32 @p2 $0x1082  }
0x22: {  	[simem:s7], [sflag:s8] =	dma.local @!p0 [hbm:s6], $0xF7A  }
0x23: {  	s9 =	sor.u32 $0xD0000000, s2;
	s6 =	simm.s32 $0x108;
	_ =	swait.ge @!p0 [sflag:s8], $0x0  }
0x24: {  	s3 =	sadd.s32 $0x88, s3;
	s6 =	simm.s32 @!p1 $0x1082;
	[sflag:s4] =	ssyncset.s32 $0xFFFFF086  }
0x25: {  	[simem:s6], [sflag:s4] =	dma.local [hbm:s3], $0xF7A  }
0x26: {  	[smem:$0x3F9F] =	sst s1;
	(tag) =	ssettag s2;
	_ =	strace s9  }
0x27: {  	s1 =	sld [smem:$0x3FAF]  }
0x28: {  	s2 =	sld [smem:$0x3FB0]  }
0x29: {  	s4 =	sld [smem:$0x3FB2]  }
0x2a: {  	p0 =	seq.s32 s5, $0x0;
	s5 =	sld [smem:$0x3FB3]  }
0x2b: {  	s6 =	sld [smem:$0x3FB4]  }
0x2c: {  	s7 =	sld [smem:$0x3FB5]  }
0x2d: {  	s3 =	simm.s32 $0x108;
	s8 =	sld [smem:$0x3FB6]  }
0x2e: {  	s3 =	simm.s32 @!p0 $0x1082;
	s9 =	sld [smem:$0x3FB7]  }
0x2f: {  	lr =	sadd.s32 s0, s3;
	s0 =	sld [smem:$0x3FAE]  }
0x30: {  	s3 =	sld [smem:$0x3FB1]  }
0x31: {  	[smem:$0x3FBA] =	sst s10  }
0x32: {  	s10 =	sld [smem:$0x3FB8];
	_ =	sdelay $0x3  }
0x33: {  	p0 =	seq.s32 s10, $0x1;
	s10 =	sld [smem:$0x3FBA];
	_ =	sdelay $0x3  }
0x34: {  	[smem:$0x3FBA] =	sst s10  }
0x35: {  	s10 =	sld [smem:$0x3FB9];
	_ =	sdelay $0x3  }
0x36: {  	p1 =	seq.s32 s10, $0x1;
	s10 =	sld [smem:$0x3FBA];
	_ =	sdelay $0x3  }
0x37: {  	[smem:$0x3FBA] =	sst s10  }
0x38: {  	s10 =	sld [smem:$0x3FBB]  }
0x39: {  	_ = 	snop;
	(pc) =	sbr.ind lr, $3  }
0x3a: {  	_ = 	snop  }
0x3b: {  	_ = 	snop  }
0x3c: {  	p2 =	seq.s32 s10, $0x1;
	s10 =	sld [smem:$0x3FBA]  }
0x3d: {  	_ =	shalt  }
0x3e: {  	_ =	shalt  }
0x3f: {  	_ =	shalt  }
0x40: {  	_ =	shalt  }
0x41: {  	_ =	shalt  }
0x42: {  	_ =	shalt  }
0x43: {  	_ =	shalt  }
0x44: {  	_ =	shalt  }
0x45: {  	_ =	shalt  }
0x46: {  	_ =	shalt  }
0x47: {  	_ =	shalt  }
0x48: {  	_ =	shalt  }
0x49: {  	_ =	shalt  }
0x4a: {  	_ =	shalt  }
0x4b: {  	_ =	shalt  }
0x4c: {  	_ =	shalt  }
0x4d: {  	_ =	shalt  }
0x4e: {  	_ =	shalt  }
0x4f: {  	_ =	shalt  }
0x50: {  	_ =	shalt  }
0x51: {  	_ =	shalt  }
0x52: {  	_ =	shalt  }
0x53: {  	_ =	shalt  }
0x54: {  	_ =	shalt  }
0x55: {  	_ =	shalt  }
0x56: {  	_ =	shalt  }
0x57: {  	_ =	shalt  }
0x58: {  	_ =	shalt  }
0x59: {  	_ =	shalt  }
0x5a: {  	_ =	shalt  }
0x5b: {  	_ =	shalt  }
0x5c: {  	_ =	shalt  }
0x5d: {  	_ =	shalt  }
0x5e: {  	_ =	shalt  }
0x5f: {  	_ =	shalt  }
0x60: {  	_ =	shalt  }
0x61: {  	_ =	shalt  }
0x62: {  	_ =	shalt  }
0x63: {  	_ =	shalt  }
0x64: {  	_ =	shalt  }
0x65: {  	_ =	shalt  }
0x66: {  	_ =	shalt  }
0x67: {  	_ =	shalt  }
0x68: {  	_ =	shalt  }
0x69: {  	_ =	shalt  }
0x6a: {  	_ =	shalt  }
0x6b: {  	_ =	shalt  }
0x6c: {  	_ =	shalt  }
0x6d: {  	_ =	shalt  }
0x6e: {  	_ =	shalt  }
0x6f: {  	_ =	shalt  }
0x70: {  	_ =	shalt  }
0x71: {  	_ =	shalt  }
0x72: {  	_ =	shalt  }
0x73: {  	_ =	shalt  }
0x74: {  	_ =	shalt  }
0x75: {  	_ =	shalt  }
0x76: {  	_ =	shalt  }
0x77: {  	_ =	shalt  }
0x78: {  	_ =	shalt  }
0x79: {  	_ =	shalt  }
0x7a: {  	_ =	shalt  }
0x7b: {  	_ =	shalt  }
0x7c: {  	_ =	shalt  }
0x7d: {  	_ =	shalt  }
0x7e: {  	_ =	shalt  }
0x7f: {  	_ =	shalt  }
0x80: {  	_ =	shalt  }
0x81: {  	_ =	shalt  }
0x82: {  	_ =	shalt  }
0x83: {  	_ =	shalt  }
0x84: {  	_ =	shalt  }
0x85: {  	_ =	shalt  }
0x86: {  	_ =	shalt  }
0x87: {  	_ =	shalt  }
.Lfunc_end0:
.L_simem_size_0:
called_computation_lowered:
.L_overlay_start_0:
0x88: {  	s2 =	sld [smem:$0x3FD9]  }
0x89: {  	s3 =	sld [smem:$0x3FFE];
	_ =	sdelay $0x1  }
0x8a: {  	s1 =	srdreg.scid  }
0x8b: {  	s0 =	sand.u32 $0x1, s1  }
0x8c: {  	s14 =	sshll.u32 s0, $0xA;
	s2 =	sadd.s32 s3, s2  }
0x8d: {  	s2 =	sadd.s32 s2, s14  }
0x8e: {  	[smem:$0x3FC6] =	sst s2  }
0x8f: {  	_ = 	snop  }
0x90: {  	s2 =	sld [smem:$0x3FD0];
	_ =	sdelay $0x2  }
0x91: {  	s15 =	simm.s32 $0xA;
	s4 =	simm.s32 $0x10  }
0x92: {  	[smem:s4], [sflag:s15] =	dma.local [hbm:s2], $0x1  }
0x93: {  	_ =	swait.eq [sflag:s15], $0x1  }
0x94: {  	[sflag:s15] =	ssyncset.done $0x0  }
0x95: {  	s16 =	sld [smem:$0x10];
	[sflag:s15] =	ssyncadd.s32 $0xFFFFFFFF  }
0x96: {  	s17 =	sld [smem:$0x14];
	(tm) =	ssettm $0x1  }
0x97: {  	s18 =	sld [smem:$0x3FFB];
	_ =	sdelay $0x3  }
0x98: {  	_ =	strace s18  }
0x99: {  	s4 =	sld [smem:$0x3FFC];
	_ =	sdelay $0x3  }
0x9a: {  	_ =	strace s4  }
0x9b: {  	s4 =	sld [smem:$0x3FFD];
	_ =	sdelay $0x3  }
0x9c: {  	_ =	strace s4  }
0x9d: {  	_ =	strace $0x8FFFFFFF  }
0x9e: {  	s19 =	sld [smem:$0x3FDB];
	_ =	sdelay $0x1  }
0x9f: {  	s5 =	simm.s32 $_scs_section_size  }
0xa0: {  	s6 =	simm.s32 $_size__tile_overlayer_lowered;
	s7 =	simm.s32 $_tile_overlayer_lowered  }
0xa1: {  	s22 =	simm.s32 $0x1BFF;
	s21 =	sshll.u32 s7, $0x1;
	s4 =	sadd.s32 s5, s19  }
0xa2: {  	s8 =	simm.s32 $0x0;
	s20 =	sshll.u32 s6, $0x1;
	s6 =	sadd.s32 s21, s4  }
0xa3: {  	[timem:s8], [sflag:s22] =	dma.local [hbm:s6], s20  }
0xa4: {  	_ =	swait.ge [sflag:s22], s20  }
0xa5: {  	s5 =	ssub.s32 $0x0, s20;
	[sflag:s22] =	ssyncset.done $0x0  }
0xa6: {  	[sflag:s22] =	ssyncadd.s32 s5;
	_ =	sdelay $0x1  }
0xa7: {  	s23 =	simm.s32 $0x1B8B  }
0xa8: {  	_ =	swait.ge [sflag:s23], $0x1  }
0xa9: {  	[sflag:s23] =	ssyncset.done $0x0  }
0xaa: {  	s25 =	simm.s32 $0x1B8E;
	s24 =	sld [smem:$0x3FFE];
	[sflag:s23] =	ssyncadd.s32 $0xFFFFFFFF  }
0xab: {  	s26 =	simm.s32 $execute0_lowered;
	[smem:$0x3FD2] =	sst s25  }
0xac: {  	s6 =	sshll.u32 s26, $0x1;
	_ =	strace $0x80000046;
	[dreg:$0x1] =	wrdreg $0xFFFFFFFF  }
0xad: {  	s28 =	simm.s32 $_size_execute0_lowered;
	s4 =	sadd.s32 s4, s6;
	[dreg:$0x0] =	wrdreg $0x0  }
0xae: {  	s6 =	sshll.u32 s28, $0x1;
	[dreg:$0x2] =	wrdreg s4  }
0xaf: {  	[dreg:$0x3] =	wrdreg s6  }
0xb0: {  	[dreg:$0x4] =	wrdreg $0xC0  }
0xb1: {  	_ =	task [dreg:s8], $0x5FFFF  }
0xb2: {  	[dreg:$0x1] =	wrdreg $0xFFFFFFFF  }
0xb3: {  	[dreg:$0x0] =	wrdreg $0x60  }
0xb4: {  	[dreg:$0x2] =	wrdreg s17  }
0xb5: {  	[dreg:$0x3] =	wrdreg s24  }
0xb6: {  	[dreg:$0x4] =	wrdreg s16  }
0xb7: {  	[dreg:$0x5] =	wrdreg $0x123000  }
0xb8: {  	[dreg:$0x6] =	wrdreg $0x9  }
0xb9: {  	_ =	task.clear_ibuf [dreg:s8], $0x7FFFF;
	_ =	strace $0x90000046  }
0xba: {  	s29 =	simm.s32 $0x9;
	_ =	strace $0x80000048  }
0xbb: {  	_ =	swait.ge [sflag:s29], $0x1  }
0xbc: {  	[sflag:s29] =	ssyncadd.s32 $0xFFFFFFFF  }
0xbd: {  	_ =	strace $0x90000048  }
0xbe: {  	_ =	sfence  }
0xbf: {  	s30 =	sld [smem:$0x0];
	_ =	sdelay $0x2  }
0xc0: {  	s31 =	sshll.u32 s1, $0xD;
	s1 =	sshrl.u32 s1, $0x2  }
0xc1: {  	s3 =	sand.u32 $0x4000, s31;
	s1 =	sadd.s32 s1, s30  }
0xc2: {  	s0 =	sor.u32 s3, s0;
	s1 =	sshll.u32 s1, $0x11  }
0xc3: {  	s0 =	sor.u32 s1, s0  }
0xc4: {  	s0 =	sadd.s32 $0x8F2B, s0  }
0xc5: {  	[sflag:s0] =	ssyncadd.remote.s32 $0x1  }
0xc6: {  	_ =	sfence.sel $0xFFFF  }
0xc7: {  	[dreg:$0x0] =	wrdreg $0xFFFFFFFF;
	(pc) =	sbr.abs _section_cstart, $3  }
0xc8: {  	[dreg:$0x1] =	wrdreg $0xFFFFFFFF  }
0xc9: {  	_ =	task.clear_ibuf [dreg:s8], $0x2FFFF;
	_ =	strace $0x9FFFFFFF  }
0xca: {  	(tm) =	ssettm $0x7FFFFFFF  }
0xcb: {  	_ =	shalt  }
tec
execute0_lowered:
.L_overlay_start_1:
0x0: {  	(tag) =	ssettag $0x1  }
0x1: {  	s0 =	rddreg [dreg:$0x0]  }
0x2: {  	s4 =	rddreg [dreg:$0x1]  }
0x3: {  	s6 =	rddreg [dreg:$0x2]  }
0x4: {  	s1 =	srdreg.scid;
	s2 =	rddreg [dreg:$0x3]  }
0x5: {  	s3 =	simm.s32 $0x0;
	s7 =	sand.u32 $0x1, s1;
	s1 =	rddreg [dreg:$0x4]  }
0x6: {  	[smem:$0x7FF] =	sst s3;
	s10 =	sadd.s32 $0x600, s4  }
0x7: {  	s11 =	simm.s32 $0x2980;
	_ =	strace $0x80000047;
	[dreg:$0x5] =	wrdreg s10  }
0x8: {  	s12 =	simm.s32 $0x3180;
	[dreg:$0xd] =	wrdreg s11  }
0x9: {  	s13 =	simm.s32 $0x3980;
	[dreg:$0xe] =	wrdreg s12  }
0xa: {  	s14 =	simm.s32 $0x4180;
	[dreg:$0xf] =	wrdreg s13  }
0xb: {  	s15 =	simm.s32 $0x4980;
	[dreg:$0x10] =	wrdreg s14  }
0xc: {  	s16 =	simm.s32 $0x5180;
	[dreg:$0x11] =	wrdreg s15  }
0xd: {  	s17 =	simm.s32 $0x5980;
	[dreg:$0x12] =	wrdreg s16  }
0xe: {  	s18 =	simm.s32 $0x6180;
	[dreg:$0x13] =	wrdreg s17  }
0xf: {  	s19 =	simm.s32 $0x6980;
	[dreg:$0x14] =	wrdreg s18  }
0x10: {  	s20 =	simm.s32 $0x7180;
	[dreg:$0x15] =	wrdreg s19  }
0x11: {  	s5 =	stileid.u32;
	s21 =	simm.s32 $0x7980;
	[dreg:$0x16] =	wrdreg s20  }
0x12: {  	s22 =	simm.s32 $0x8180;
	s23 =	simm.s32 $0x8980;
	[dreg:$0x17] =	wrdreg s21  }
0x13: {  	s25 =	simm.s32 $0x9180;
	s26 =	simm.s32 $0x9980;
	[dreg:$0x18] =	wrdreg s22  }
0x14: {  	s28 =	simm.s32 $0xA180;
	s29 =	simm.s32 $0xA980;
	[dreg:$0x19] =	wrdreg s23  }
0x15: {  	s30 =	simm.s32 $0xB180;
	s8 =	sshll.u32 s5, $0x1;
	[dreg:$0x1a] =	wrdreg s25  }
0x16: {  	p0 =	sne.s32 s5, $0x0;
	s5 =	simm.s32 $0x2;
	[dreg:$0x1b] =	wrdreg s26  }
0x17: {  	s8 =	sor.u32 s7, s8;
	s31 =	sshll.u32 s7, $0x4;
	[dreg:$0x1c] =	wrdreg s28  }
0x18: {  	s10 =	simm.s32 $0x2180;
	s24 =	ssub.s32 $0x2, s7;
	[dreg:$0x1d] =	wrdreg s29  }
0x19: {  	[dreg:$0x1e] =	wrdreg s30;
	s11 =	simm.s32 $0xE180;
	s12 =	simm.s32 $0xE980  }
0x1a: {  	s13 =	simm.s32 $0xF180;
	s14 =	simm.s32 $0xF980;
	s9 =	smul.u32 $0x24, s8  }
0x1b: {  	s15 =	simm.s32 $0x10180;
	s16 =	simm.s32 $0x10980;
	s8 =	smul.u32 $0x2400, s8  }
0x1c: {  	s17 =	simm.s32 $0x11180;
	[dreg:$0xc] =	wrdreg s10;
	s9 =	sadd.s32 s4, s9  }
0x1d: {  	s18 =	simm.s32 $0x11980;
	s6 =	sadd.s32 s6, s8;
	[dreg:$0x6] =	wrdreg s9  }
0x1e: {  	s19 =	simm.s32 $0x1;
	s8 =	simm.s32 $0x1180;
	[dreg:$0x7] =	wrdreg s6  }
0x1f: {  	s4 =	sadd.s32 s31, s4;
	s31 =	simm.s32 $0xB980;
	[dreg:$0xa] =	wrdreg s8  }
0x20: {  	s7 =	sshrl.u32 s24, $0x1;
	s4 =	sadd.s32 $0xA00, s4;
	[dreg:$0x1f] =	wrdreg s31  }
0x21: {  	s10 =	simm.s32 $0xD980;
	s6 =	simm.s32 $0x980;
	[dreg:$0x8] =	wrdreg s4  }
0x22: {  	v2 =	vlaneseq.u32;
	s9 =	simm.s32 $0x1980;
	s8 =	simm.s32 $0xC980;
	[dreg:$0x9] =	wrdreg s6  }
0x23: {  	vm0 =	vmmov $0xffff;
	v3 =	vimm.f32 $1.000000000e+00;
	v1 =	vshrl.u32 v2, $0x3;
	[dreg:$0xb] =	wrdreg s9;
	s6 =	ssub.s32 s24, s7;
	s7 =	simm.s32 $0xC180  }
0x24: {  	v0 =	vand.u32 $0x7, v2;
	v2 =	vor.u32 $0x8, v2;
	v1 =	vmul.u32 $0x8, v1;
	s9 =	simm.s32 $0xD180;
	s4 =	smax.u32 s6, $0x1;
	s6 =	simm.s32 $0x180  }
.LBB2_1:
0x25: {  	s20 =	rddreg [dreg:$0x6]  }
0x26: {  	[tilespmem:s3], [sflag:$0x2] =	stream.linear.gather [hbm4b:s20+s3], $0x120, $0x38;
	[tilespmem:$0x12500] =	vst v63  }
0x27: {  	_ =	swait.ge [sflag:s5], $0x120  }
0x28: {  	[sflag:s5] =	ssyncset.done $0x0  }
0x29: {  	[sflag:s5] =	ssyncadd.s32 $0xFFFFFEE0  }
0x2a: {  	v4 =	vld [tilespmem:$0x0];
	_ =	sdelay $0x4  }
0x2b: {  	v5 =	vshll.u32 v4, $0x1  }
0x2c: {  	v4 =	vand.u32 $0x7, v4;
	v5 =	vand.u32 $0xFFFFFFF0, v5  }
0x2d: {  	v4 =	vor.u32 v4, v5  }
0x2e: {  	v5 =	vperm.xlane v4, v0;
	_ =	sdelay $0x1  }
0x2f: {  	v4 =	vperm.xlane v4, v2;
	v5 =	vadd.s32 v1, v5;
	_ =	sdelay $0x1  }
0x30: {  	v4 =	vadd.s32 v1, v4;
	_ =	sdelay $0x2  }
0x31: {  	[tilespmem:s6], [sflag:$0x1] =	stream.indirect_vreg.gather [hbm4b:s0+s3], $0x80, v5, vm0, $0xb8;
	[tilespmem:$0x12500] =	vst v63  }
0x32: {  	s28 =	rddreg [dreg:$0x9]  }
0x33: {  	[tilespmem:s28], [sflag:$0x1] =	stream.indirect_vreg.gather [hbm4b:s0+s3], $0x80, v4, vm0, $0xb8;
	[tilespmem:$0x12500] =	vst v63  }
0x34: {  	v4 =	vld [tilespmem:$0x10];
	_ =	sdelay $0x4  }
0x35: {  	v5 =	vshll.u32 v4, $0x1  }
0x36: {  	v4 =	vand.u32 $0x7, v4;
	v5 =	vand.u32 $0xFFFFFFF0, v5  }
0x37: {  	v4 =	vor.u32 v4, v5  }
0x38: {  	v5 =	vperm.xlane v4, v0;
	_ =	sdelay $0x1  }
0x39: {  	v4 =	vperm.xlane v4, v2;
	v5 =	vadd.s32 v1, v5;
	_ =	sdelay $0x1  }
0x3a: {  	v4 =	vadd.s32 v1, v4;
	_ =	sdelay $0x1  }
0x3b: {  	s29 =	rddreg [dreg:$0xa]  }
0x3c: {  	[tilespmem:s29], [sflag:$0x1] =	stream.indirect_vreg.gather [hbm4b:s0+s3], $0x80, v5, vm0, $0xb8;
	[tilespmem:$0x12500] =	vst v63  }
0x3d: {  	s21 =	rddreg [dreg:$0xb]  }
0x3e: {  	[tilespmem:s21], [sflag:$0x1] =	stream.indirect_vreg.gather [hbm4b:s0+s3], $0x80, v4, vm0, $0xb8;
	[tilespmem:$0x12500] =	vst v63  }
0x3f: {  	v4 =	vld [tilespmem:$0x20];
	_ =	sdelay $0x4  }
0x40: {  	v5 =	vshll.u32 v4, $0x1  }
0x41: {  	v4 =	vand.u32 $0x7, v4;
	v5 =	vand.u32 $0xFFFFFFF0, v5  }
0x42: {  	v4 =	vor.u32 v4, v5  }
0x43: {  	v5 =	vperm.xlane v4, v0;
	_ =	sdelay $0x1  }
0x44: {  	v4 =	vperm.xlane v4, v2;
	v5 =	vadd.s32 v1, v5;
	_ =	sdelay $0x1  }
0x45: {  	v4 =	vadd.s32 v1, v4;
	_ =	sdelay $0x1  }
0x46: {  	s30 =	rddreg [dreg:$0xc]  }
0x47: {  	[tilespmem:s30], [sflag:$0x1] =	stream.indirect_vreg.gather [hbm4b:s0+s3], $0x80, v5, vm0, $0xb8;
	[tilespmem:$0x12500] =	vst v63  }
0x48: {  	s31 =	rddreg [dreg:$0xd]  }
0x49: {  	[tilespmem:s31], [sflag:$0x1] =	stream.indirect_vreg.gather [hbm4b:s0+s3], $0x80, v4, vm0, $0xb8;
	[tilespmem:$0x12500] =	vst v63  }
0x4a: {  	v4 =	vld [tilespmem:$0x30];
	_ =	sdelay $0x4  }
0x4b: {  	v5 =	vshll.u32 v4, $0x1  }
0x4c: {  	v4 =	vand.u32 $0x7, v4;
	v5 =	vand.u32 $0xFFFFFFF0, v5  }
0x4d: {  	v4 =	vor.u32 v4, v5  }
0x4e: {  	v5 =	vperm.xlane v4, v0;
	_ =	sdelay $0x1  }
0x4f: {  	v4 =	vperm.xlane v4, v2;
	v5 =	vadd.s32 v1, v5;
	_ =	sdelay $0x1  }
0x50: {  	v4 =	vadd.s32 v1, v4;
	_ =	sdelay $0x1  }
0x51: {  	s21 =	rddreg [dreg:$0xe]  }
0x52: {  	[tilespmem:s21], [sflag:$0x1] =	stream.indirect_vreg.gather [hbm4b:s0+s3], $0x80, v5, vm0, $0xb8;
	[tilespmem:$0x12500] =	vst v63  }
0x53: {  	s22 =	rddreg [dreg:$0xf]  }
0x54: {  	[tilespmem:s22], [sflag:$0x1] =	stream.indirect_vreg.gather [hbm4b:s0+s3], $0x80, v4, vm0, $0xb8;
	[tilespmem:$0x12500] =	vst v63  }
0x55: {  	v4 =	vld [tilespmem:$0x40];
	_ =	sdelay $0x4  }
0x56: {  	v5 =	vshll.u32 v4, $0x1  }
0x57: {  	v4 =	vand.u32 $0x7, v4;
	v5 =	vand.u32 $0xFFFFFFF0, v5  }
0x58: {  	v4 =	vor.u32 v4, v5  }
0x59: {  	v5 =	vperm.xlane v4, v0;
	_ =	sdelay $0x1  }
0x5a: {  	v4 =	vperm.xlane v4, v2;
	v5 =	vadd.s32 v1, v5;
	_ =	sdelay $0x1  }
0x5b: {  	v4 =	vadd.s32 v1, v4;
	_ =	sdelay $0x1  }
0x5c: {  	s23 =	rddreg [dreg:$0x10]  }
0x5d: {  	[tilespmem:s23], [sflag:$0x1] =	stream.indirect_vreg.gather [hbm4b:s0+s3], $0x80, v5, vm0, $0xb8;
	[tilespmem:$0x12500] =	vst v63  }
0x5e: {  	s24 =	rddreg [dreg:$0x11]  }
0x5f: {  	[tilespmem:s24], [sflag:$0x1] =	stream.indirect_vreg.gather [hbm4b:s0+s3], $0x80, v4, vm0, $0xb8;
	[tilespmem:$0x12500] =	vst v63  }
0x60: {  	v4 =	vld [tilespmem:$0x50];
	_ =	sdelay $0x4  }
0x61: {  	v5 =	vshll.u32 v4, $0x1  }
0x62: {  	v4 =	vand.u32 $0x7, v4;
	v5 =	vand.u32 $0xFFFFFFF0, v5  }
0x63: {  	v4 =	vor.u32 v4, v5  }
0x64: {  	v5 =	vperm.xlane v4, v0;
	_ =	sdelay $0x1  }
0x65: {  	v4 =	vperm.xlane v4, v2;
	v5 =	vadd.s32 v1, v5;
	_ =	sdelay $0x1  }
0x66: {  	v4 =	vadd.s32 v1, v4;
	_ =	sdelay $0x1  }
0x67: {  	s25 =	rddreg [dreg:$0x12]  }
0x68: {  	[tilespmem:s25], [sflag:$0x1] =	stream.indirect_vreg.gather [hbm4b:s0+s3], $0x80, v5, vm0, $0xb8;
	[tilespmem:$0x12500] =	vst v63  }
0x69: {  	s26 =	rddreg [dreg:$0x13]  }
0x6a: {  	[tilespmem:s26], [sflag:$0x1] =	stream.indirect_vreg.gather [hbm4b:s0+s3], $0x80, v4, vm0, $0xb8;
	[tilespmem:$0x12500] =	vst v63  }
0x6b: {  	v4 =	vld [tilespmem:$0x60];
	_ =	sdelay $0x4  }
0x6c: {  	v5 =	vshll.u32 v4, $0x1  }
0x6d: {  	v4 =	vand.u32 $0x7, v4;
	v5 =	vand.u32 $0xFFFFFFF0, v5  }
0x6e: {  	v4 =	vor.u32 v4, v5  }
0x6f: {  	v5 =	vperm.xlane v4, v0;
	_ =	sdelay $0x1  }
0x70: {  	v4 =	vperm.xlane v4, v2;
	v5 =	vadd.s32 v1, v5;
	_ =	sdelay $0x1  }
0x71: {  	v4 =	vadd.s32 v1, v4;
	_ =	sdelay $0x1  }
0x72: {  	s28 =	rddreg [dreg:$0x14]  }
0x73: {  	[tilespmem:s28], [sflag:$0x1] =	stream.indirect_vreg.gather [hbm4b:s0+s3], $0x80, v5, vm0, $0xb8;
	[tilespmem:$0x12500] =	vst v63  }
0x74: {  	s29 =	rddreg [dreg:$0x15]  }
0x75: {  	[tilespmem:s29], [sflag:$0x1] =	stream.indirect_vreg.gather [hbm4b:s0+s3], $0x80, v4, vm0, $0xb8;
	[tilespmem:$0x12500] =	vst v63  }
0x76: {  	v4 =	vld [tilespmem:$0x70];
	_ =	sdelay $0x4  }
0x77: {  	v5 =	vshll.u32 v4, $0x1  }
0x78: {  	v4 =	vand.u32 $0x7, v4;
	v5 =	vand.u32 $0xFFFFFFF0, v5  }
0x79: {  	v4 =	vor.u32 v4, v5  }
0x7a: {  	v5 =	vperm.xlane v4, v0;
	_ =	sdelay $0x1  }
0x7b: {  	v4 =	vperm.xlane v4, v2;
	v5 =	vadd.s32 v1, v5;
	_ =	sdelay $0x1  }
0x7c: {  	v4 =	vadd.s32 v1, v4;
	_ =	sdelay $0x1  }
0x7d: {  	s30 =	rddreg [dreg:$0x16]  }
0x7e: {  	[tilespmem:s30], [sflag:$0x1] =	stream.indirect_vreg.gather [hbm4b:s0+s3], $0x80, v5, vm0, $0xb8;
	[tilespmem:$0x12500] =	vst v63  }
0x7f: {  	s31 =	rddreg [dreg:$0x17]  }
0x80: {  	[tilespmem:s31], [sflag:$0x1] =	stream.indirect_vreg.gather [hbm4b:s0+s3], $0x80, v4, vm0, $0xb8;
	[tilespmem:$0x12500] =	vst v63  }
0x81: {  	v4 =	vld [tilespmem:$0x80];
	_ =	sdelay $0x4  }
0x82: {  	v5 =	vshll.u32 v4, $0x1  }
0x83: {  	v4 =	vand.u32 $0x7, v4;
	v5 =	vand.u32 $0xFFFFFFF0, v5  }
0x84: {  	v4 =	vor.u32 v4, v5  }
0x85: {  	v5 =	vperm.xlane v4, v0;
	_ =	sdelay $0x1  }
0x86: {  	v4 =	vperm.xlane v4, v2;
	v5 =	vadd.s32 v1, v5;
	_ =	sdelay $0x1  }
0x87: {  	v4 =	vadd.s32 v1, v4;
	_ =	sdelay $0x1  }
0x88: {  	s22 =	rddreg [dreg:$0x18]  }
0x89: {  	[tilespmem:s22], [sflag:$0x1] =	stream.indirect_vreg.gather [hbm4b:s0+s3], $0x80, v5, vm0, $0xb8;
	[tilespmem:$0x12500] =	vst v63  }
0x8a: {  	s23 =	rddreg [dreg:$0x19]  }
0x8b: {  	[tilespmem:s23], [sflag:$0x1] =	stream.indirect_vreg.gather [hbm4b:s0+s3], $0x80, v4, vm0, $0xb8;
	[tilespmem:$0x12500] =	vst v63  }
0x8c: {  	v4 =	vld [tilespmem:$0x90];
	_ =	sdelay $0x4  }
0x8d: {  	v5 =	vshll.u32 v4, $0x1  }
0x8e: {  	v4 =	vand.u32 $0x7, v4;
	v5 =	vand.u32 $0xFFFFFFF0, v5  }
0x8f: {  	v4 =	vor.u32 v4, v5  }
0x90: {  	v5 =	vperm.xlane v4, v0;
	_ =	sdelay $0x1  }
0x91: {  	v4 =	vperm.xlane v4, v2;
	v5 =	vadd.s32 v1, v5;
	_ =	sdelay $0x1  }
0x92: {  	v4 =	vadd.s32 v1, v4;
	_ =	sdelay $0x1  }
0x93: {  	s24 =	rddreg [dreg:$0x1a]  }
0x94: {  	[tilespmem:s24], [sflag:$0x1] =	stream.indirect_vreg.gather [hbm4b:s0+s3], $0x80, v5, vm0, $0xb8;
	[tilespmem:$0x12500] =	vst v63  }
0x95: {  	s25 =	rddreg [dreg:$0x1b]  }
0x96: {  	[tilespmem:s25], [sflag:$0x1] =	stream.indirect_vreg.gather [hbm4b:s0+s3], $0x80, v4, vm0, $0xb8;
	[tilespmem:$0x12500] =	vst v63  }
0x97: {  	v4 =	vld [tilespmem:$0xA0];
	_ =	sdelay $0x4  }
0x98: {  	v5 =	vshll.u32 v4, $0x1  }
0x99: {  	v4 =	vand.u32 $0x7, v4;
	v5 =	vand.u32 $0xFFFFFFF0, v5  }
0x9a: {  	v4 =	vor.u32 v4, v5  }
0x9b: {  	v5 =	vperm.xlane v4, v0;
	_ =	sdelay $0x1  }
0x9c: {  	v4 =	vperm.xlane v4, v2;
	v5 =	vadd.s32 v1, v5;
	_ =	sdelay $0x1  }
0x9d: {  	v4 =	vadd.s32 v1, v4;
	_ =	sdelay $0x1  }
0x9e: {  	s26 =	rddreg [dreg:$0x1c]  }
0x9f: {  	[tilespmem:s26], [sflag:$0x1] =	stream.indirect_vreg.gather [hbm4b:s0+s3], $0x80, v5, vm0, $0xb8;
	[tilespmem:$0x12500] =	vst v63  }
0xa0: {  	s28 =	rddreg [dreg:$0x1d]  }
0xa1: {  	[tilespmem:s28], [sflag:$0x1] =	stream.indirect_vreg.gather [hbm4b:s0+s3], $0x80, v4, vm0, $0xb8;
	[tilespmem:$0x12500] =	vst v63  }
0xa2: {  	v4 =	vld [tilespmem:$0xB0];
	_ =	sdelay $0x4  }
0xa3: {  	v5 =	vshll.u32 v4, $0x1  }
0xa4: {  	v4 =	vand.u32 $0x7, v4;
	v5 =	vand.u32 $0xFFFFFFF0, v5  }
0xa5: {  	v4 =	vor.u32 v4, v5  }
0xa6: {  	v5 =	vperm.xlane v4, v0;
	_ =	sdelay $0x1  }
0xa7: {  	v4 =	vperm.xlane v4, v2;
	v5 =	vadd.s32 v1, v5;
	_ =	sdelay $0x1  }
0xa8: {  	v4 =	vadd.s32 v1, v4;
	_ =	sdelay $0x1  }
0xa9: {  	s29 =	rddreg [dreg:$0x1e]  }
0xaa: {  	[tilespmem:s29], [sflag:$0x1] =	stream.indirect_vreg.gather [hbm4b:s0+s3], $0x80, v5, vm0, $0xb8;
	[tilespmem:$0x12500] =	vst v63  }
0xab: {  	s30 =	rddreg [dreg:$0x1f]  }
0xac: {  	[tilespmem:s30], [sflag:$0x1] =	stream.indirect_vreg.gather [hbm4b:s0+s3], $0x80, v4, vm0, $0xb8;
	[tilespmem:$0x12500] =	vst v63  }
0xad: {  	v4 =	vld [tilespmem:$0xC0];
	_ =	sdelay $0x4  }
0xae: {  	v5 =	vshll.u32 v4, $0x1  }
0xaf: {  	v4 =	vand.u32 $0x7, v4;
	v5 =	vand.u32 $0xFFFFFFF0, v5  }
0xb0: {  	v4 =	vor.u32 v4, v5  }
0xb1: {  	v5 =	vperm.xlane v4, v0;
	_ =	sdelay $0x1  }
0xb2: {  	v4 =	vperm.xlane v4, v2;
	v5 =	vadd.s32 v1, v5;
	_ =	sdelay $0x1  }
0xb3: {  	v4 =	vadd.s32 v1, v4;
	_ =	sdelay $0x2  }
0xb4: {  	[tilespmem:s7], [sflag:$0x1] =	stream.indirect_vreg.gather [hbm4b:s0+s3], $0x80, v5, vm0, $0xb8;
	[tilespmem:$0x12500] =	vst v63  }
0xb5: {  	_ = 	snop  }
0xb6: {  	[tilespmem:s8], [sflag:$0x1] =	stream.indirect_vreg.gather [hbm4b:s0+s3], $0x80, v4, vm0, $0xb8;
	[tilespmem:$0x12500] =	vst v63  }
0xb7: {  	v4 =	vld [tilespmem:$0xD0];
	_ =	sdelay $0x4  }
0xb8: {  	v5 =	vshll.u32 v4, $0x1  }
0xb9: {  	v4 =	vand.u32 $0x7, v4;
	v5 =	vand.u32 $0xFFFFFFF0, v5  }
0xba: {  	v4 =	vor.u32 v4, v5  }
0xbb: {  	v5 =	vperm.xlane v4, v0;
	_ =	sdelay $0x1  }
0xbc: {  	v4 =	vperm.xlane v4, v2;
	v5 =	vadd.s32 v1, v5;
	_ =	sdelay $0x1  }
0xbd: {  	v4 =	vadd.s32 v1, v4;
	_ =	sdelay $0x2  }
0xbe: {  	[tilespmem:s9], [sflag:$0x1] =	stream.indirect_vreg.gather [hbm4b:s0+s3], $0x80, v5, vm0, $0xb8;
	[tilespmem:$0x12500] =	vst v63  }
0xbf: {  	_ = 	snop  }
0xc0: {  	[tilespmem:s10], [sflag:$0x1] =	stream.indirect_vreg.gather [hbm4b:s0+s3], $0x80, v4, vm0, $0xb8;
	[tilespmem:$0x12500] =	vst v63  }
0xc1: {  	v4 =	vld [tilespmem:$0xE0];
	_ =	sdelay $0x4  }
0xc2: {  	v5 =	vshll.u32 v4, $0x1  }
0xc3: {  	v4 =	vand.u32 $0x7, v4;
	v5 =	vand.u32 $0xFFFFFFF0, v5  }
0xc4: {  	v4 =	vor.u32 v4, v5  }
0xc5: {  	v5 =	vperm.xlane v4, v0;
	_ =	sdelay $0x1  }
0xc6: {  	v4 =	vperm.xlane v4, v2;
	v5 =	vadd.s32 v1, v5;
	_ =	sdelay $0x1  }
0xc7: {  	v4 =	vadd.s32 v1, v4;
	_ =	sdelay $0x2  }
0xc8: {  	[tilespmem:s11], [sflag:$0x1] =	stream.indirect_vreg.gather [hbm4b:s0+s3], $0x80, v5, vm0, $0xb8;
	[tilespmem:$0x12500] =	vst v63  }
0xc9: {  	_ = 	snop  }
0xca: {  	[tilespmem:s12], [sflag:$0x1] =	stream.indirect_vreg.gather [hbm4b:s0+s3], $0x80, v4, vm0, $0xb8;
	[tilespmem:$0x12500] =	vst v63  }
0xcb: {  	v4 =	vld [tilespmem:$0xF0];
	_ =	sdelay $0x4  }
0xcc: {  	v5 =	vshll.u32 v4, $0x1  }
0xcd: {  	v4 =	vand.u32 $0x7, v4;
	v5 =	vand.u32 $0xFFFFFFF0, v5  }
0xce: {  	v4 =	vor.u32 v4, v5  }
0xcf: {  	v5 =	vperm.xlane v4, v0;
	_ =	sdelay $0x1  }
0xd0: {  	v4 =	vperm.xlane v4, v2;
	v5 =	vadd.s32 v1, v5;
	_ =	sdelay $0x1  }
0xd1: {  	v4 =	vadd.s32 v1, v4;
	_ =	sdelay $0x2  }
0xd2: {  	[tilespmem:s13], [sflag:$0x1] =	stream.indirect_vreg.gather [hbm4b:s0+s3], $0x80, v5, vm0, $0xb8;
	[tilespmem:$0x12500] =	vst v63  }
0xd3: {  	_ = 	snop  }
0xd4: {  	[tilespmem:s14], [sflag:$0x1] =	stream.indirect_vreg.gather [hbm4b:s0+s3], $0x80, v4, vm0, $0xb8;
	[tilespmem:$0x12500] =	vst v63  }
0xd5: {  	v4 =	vld [tilespmem:$0x100];
	_ =	sdelay $0x4  }
0xd6: {  	v5 =	vshll.u32 v4, $0x1  }
0xd7: {  	v4 =	vand.u32 $0x7, v4;
	v5 =	vand.u32 $0xFFFFFFF0, v5  }
0xd8: {  	v4 =	vor.u32 v4, v5  }
0xd9: {  	v5 =	vperm.xlane v4, v0;
	_ =	sdelay $0x1  }
0xda: {  	v4 =	vperm.xlane v4, v2;
	v5 =	vadd.s32 v1, v5;
	_ =	sdelay $0x1  }
0xdb: {  	v4 =	vadd.s32 v1, v4;
	_ =	sdelay $0x2  }
0xdc: {  	[tilespmem:s15], [sflag:$0x1] =	stream.indirect_vreg.gather [hbm4b:s0+s3], $0x80, v5, vm0, $0xb8;
	[tilespmem:$0x12500] =	vst v63  }
0xdd: {  	_ = 	snop  }
0xde: {  	[tilespmem:s16], [sflag:$0x1] =	stream.indirect_vreg.gather [hbm4b:s0+s3], $0x80, v4, vm0, $0xb8;
	[tilespmem:$0x12500] =	vst v63  }
0xdf: {  	v4 =	vld [tilespmem:$0x110];
	_ =	sdelay $0x4  }
0xe0: {  	v5 =	vshll.u32 v4, $0x1  }
0xe1: {  	v4 =	vand.u32 $0x7, v4;
	v5 =	vand.u32 $0xFFFFFFF0, v5  }
0xe2: {  	v4 =	vor.u32 v4, v5  }
0xe3: {  	v5 =	vperm.xlane v4, v0;
	_ =	sdelay $0x1  }
0xe4: {  	v4 =	vperm.xlane v4, v2;
	v5 =	vadd.s32 v1, v5;
	_ =	sdelay $0x1  }
0xe5: {  	v4 =	vadd.s32 v1, v4;
	_ =	sdelay $0x2  }
0xe6: {  	[tilespmem:s17], [sflag:$0x1] =	stream.indirect_vreg.gather [hbm4b:s0+s3], $0x80, v5, vm0, $0xb8;
	[tilespmem:$0x12500] =	vst v63  }
0xe7: {  	_ = 	snop  }
0xe8: {  	[tilespmem:s18], [sflag:$0x1] =	stream.indirect_vreg.gather [hbm4b:s0+s3], $0x80, v4, vm0, $0xb8;
	[tilespmem:$0x12500] =	vst v63  }
0xe9: {  	_ =	swait.ge [sflag:s19], $0x12000  }
0xea: {  	[sflag:s19] =	ssyncset.done $0x0  }
0xeb: {  	s31 =	rddreg [dreg:$0x7];
	[sflag:s19] =	ssyncadd.s32 $0xFFFEE000  }
0xec: {  	[hbm4b:s31+s3] =	stream.linear.scatter [tilespmem:s6], [sflag:$0x2], $0x12000, $0x38;
	[tilespmem:$0x12500] =	vst v63  }
0xed: {  	_ =	swait.ge [sflag:s5], $0x12000  }
0xee: {  	[sflag:s5] =	ssyncset.done $0x0  }
0xef: {  	[sflag:s5] =	ssyncadd.s32 $0xFFFEE000  }
0xf0: {  	[tilespmem:$0x12180] =	vst v3  }
0xf1: {  	[tilespmem:$0x12190] =	vst v3  }
0xf2: {  	[tilespmem:$0x121A0] =	vst v3  }
0xf3: {  	[tilespmem:$0x121B0] =	vst v3  }
0xf4: {  	[tilespmem:$0x121C0] =	vst v3  }
0xf5: {  	[tilespmem:$0x121D0] =	vst v3  }
0xf6: {  	[tilespmem:$0x121E0] =	vst v3  }
0xf7: {  	[tilespmem:$0x121F0] =	vst v3  }
0xf8: {  	[tilespmem:$0x12200] =	vst v3  }
0xf9: {  	[tilespmem:$0x12210] =	vst v3  }
0xfa: {  	[tilespmem:$0x12220] =	vst v3  }
0xfb: {  	[tilespmem:$0x12230] =	vst v3  }
0xfc: {  	[tilespmem:$0x12240] =	vst v3  }
0xfd: {  	[tilespmem:$0x12250] =	vst v3  }
0xfe: {  	[tilespmem:$0x12260] =	vst v3  }
0xff: {  	[tilespmem:$0x12270] =	vst v3  }
0x100: {  	[tilespmem:$0x12280] =	vst v3  }
0x101: {  	s20 =	simm.s32 @p0 $0x120;
	[tilespmem:$0x12290] =	vst v3  }
0x102: {  	s21 =	simm.s32 @p0 $0x0;
	s22 =	simm.s32 @p0 $0x12180;
	[bflag:$0x0] =	sbarrier.arrive @p0 $0xFFFF  }
0x103: {  	[spmem:s2] =	stream.indirect.scatter.add.f32 @p0 [tilespmem:s22], [sflag:$0x2], $0x1, s21, s20, $0xb8;
	[tilespmem:$0x12500] =	vst v63  }
0x104: {  	s20 =	simm.s32 @p0 $0x2  }
0x105: {  	_ =	swait.ge @p0 [sflag:s20], $0x120  }
0x106: {  	[sflag:s20] =	ssyncset.done @p0 $0x0  }
0x107: {  	[sflag:s20] =	ssyncadd.s32 @p0 $0xFFFFFEE0  }
0x108: {  	[bflag:$0x0] =	sbarrier.arrive @p0 $0xFFFF  }
0x109: {  	s21 =	sshrl.u32 @!p0 s2, $0x3;
	s22 =	simm.s32 @!p0 $0x1C02;
	s20 =	rddreg [dreg:$0x5]  }
0x10a: {  	[spmem:s21], [sflag:s22] =	dma.local @!p0 [hbm:s20], $0x400  }
0x10b: {  	s20 =	simm.s32 @!p0 $0x2  }
0x10c: {  	_ =	swait.ge @!p0 [sflag:s20], $0x400  }
0x10d: {  	[sflag:s20] =	ssyncset.done @!p0 $0x0  }
0x10e: {  	s23 =	simm.s32 @!p0 $0x120;
	[sflag:s20] =	ssyncadd.s32 @!p0 $0xFFFFFC00  }
0x10f: {  	s24 =	simm.s32 @!p0 $0x0;
	s25 =	simm.s32 @!p0 $0x12180;
	[bflag:$0x0] =	sbarrier.arrive @!p0 $0xFFFF  }
0x110: {  	[spmem:s2] =	stream.indirect.scatter.add.f32 @!p0 [tilespmem:s25], [sflag:$0x2], $0x1, s24, s23, $0xb8;
	[tilespmem:$0x12500] =	vst v63  }
0x111: {  	_ =	swait.ge @!p0 [sflag:s20], $0x120  }
0x112: {  	s4 =	sadd.s32 $0xFFFFFFFF, s4;
	[sflag:s20] =	ssyncset.done @!p0 $0x0  }
0x113: {  	p1 =	sne.s32 s4, $0x0;
	[sflag:s20] =	ssyncadd.s32 @!p0 $0xFFFFFEE0  }
0x114: {  	s26 =	simm.s32 @!p0 $0x10;
	s24 =	simm.s32 @!p0 $0x1;
	[bflag:$0x0] =	sbarrier.arrive @!p0 $0xFFFF  }
.Ltmp0:
0x115: {  	s25 =	simm.s32 @!p0 $0x20;
	s23 =	rddreg [dreg:$0x8];
	(pc) =	sbr.rel @p1 .LBB2_1-.Ltmp0, $4  }
0x116: {  	[hbm:s23@s25], [sflag:s22] =	dma.strided @!p0 [spmem:s21@s26], $0x400, s24, $0x10   }
0x117: {  	_ =	swait.ge @!p0 [sflag:s20], $0x400  }
0x118: {  	[sflag:s20] =	ssyncset.done @!p0 $0x0  }
0x119: {  	[sflag:s20] =	ssyncadd.s32 @!p0 $0xFFFFFC00  }
0x11a: {  	_ =	sfence.sel $0x180000  }
0x11b: {  	[bflag:$0x0] =	sbarrier.arrive $0xFFFF  }
0x11c: {  	_ =	strace $0x90000047  }
0x11d: {  	s0 =	sadd.s32 @!p0 $0x100000, s1;
	[bflag:$0x2] =	sbarrier.arrive $0xFFFF  }
0x11e: {  	[sflag:s0] =	ssyncadd.tile.s32 @!p0 $0x1;
	_ =	shalt  }
.Lfunc_end2:
_tile_overlayer_lowered:
.L_overlay_start_2:
0x11f: {  	(tag) =	ssettag $0x2  }
0x120: {  	s0 =	rddreg [dreg:$0x0];
	s2 =	stileid.u32  }
0x121: {  	s1 =	rddreg [dreg:$0x1];
	p0 =	sne.s32 s2, $0x0  }
0x122: {  	s3 =	rddreg [dreg:$0x2];
	[bflag:$0x3] =	sbarrier.arrive $0xFFFF;
	s2 =	simm.s32 @!p0 $0x1C02  }
0x123: {  	[timem:s3], [sflag:s2] =	dma.local @!p0 [hbm:s0], s1  }
0x124: {  	s0 =	simm.s32 @!p0 $0x2  }
0x125: {  	_ =	swait.ge @!p0 [sflag:s0], s1  }
0x126: {  	s1 =	ssub.s32 @!p0 $0x0, s1;
	[sflag:s0] =	ssyncset.done @!p0 $0x0  }
0x127: {  	[sflag:s0] =	ssyncadd.s32 @!p0 s1  }
0x128: {  	[bflag:$0x3] =	sbarrier.arrive $0xFFFF  }
0x129: {  	_ =	shalt  }

</sc_bundles>
